<compile_context>
chip_gen: v7x
topology: tpu7x:2x2x1
jax: 0.10.2.dev20260603
libtpu: 0.0.44.dev20260713+nightly
codegen_flags: <defaults>
</compile_context>

<pallas_src>
import functools

import jax
import jax.numpy as jnp
from jax import lax
from jax.experimental import pallas as pl
from jax.experimental.pallas import tpu as pltpu
from jax.experimental.pallas import tpu_sc as plsc

SCALE = 64.0
MARGIN = 0.4

CHUNK = 128
NW = 32


def _gather_rows(idx2d, table, b_pad, d):
    n_chunks = b_pad // CHUNK
    chunks_w = n_chunks // NW

    mesh = plsc.VectorSubcoreMesh(core_axis_name="c", subcore_axis_name="s")

    @functools.partial(
        pl.kernel,
        mesh=mesh,
        compiler_params=pltpu.CompilerParams(use_tc_tiling_on_sc=False),
        out_type=jax.ShapeDtypeStruct((b_pad, d), jnp.float32),
        scratch_types=[
            pltpu.VMEM((chunks_w, CHUNK), jnp.int32),
            pltpu.VMEM((2, CHUNK, d), jnp.float32),
            pltpu.SemaphoreType.DMA,
            pltpu.SemaphoreType.DMA,
        ],
    )
    def gather_kernel(idx_hbm, table_hbm, out_hbm, idx_v, rows_v, sem0, sem1):
        wid = lax.axis_index("s") * 2 + lax.axis_index("c")
        chunk0 = wid * chunks_w
        pltpu.sync_copy(idx_hbm.at[wid], idx_v)

        def start_dyn(c, buf):
            @pl.when(buf == 0)
            def _():
                pltpu.async_copy(table_hbm.at[idx_v.at[c]], rows_v.at[0], sem0)

            @pl.when(buf == 1)
            def _():
                pltpu.async_copy(table_hbm.at[idx_v.at[c]], rows_v.at[1], sem1)

        def wait_dyn(c, buf):
            @pl.when(buf == 0)
            def _():
                pltpu.make_async_copy(
                    table_hbm.at[idx_v.at[c]], rows_v.at[0], sem0).wait()

            @pl.when(buf == 1)
            def _():
                pltpu.make_async_copy(
                    table_hbm.at[idx_v.at[c]], rows_v.at[1], sem1).wait()

        def body(c, _):
            buf = lax.rem(c, 2)

            @pl.when(c + 1 < chunks_w)
            def _():
                start_dyn(c + 1, lax.rem(c + 1, 2))

            wait_dyn(c, buf)
            pltpu.sync_copy(
                rows_v.at[buf],
                out_hbm.at[pl.ds((chunk0 + c) * CHUNK, CHUNK)])
            return 0

        pltpu.async_copy(table_hbm.at[idx_v.at[0]], rows_v.at[0], sem0)
        lax.fori_loop(0, chunks_w, body, 0)

    return gather_kernel(idx2d, table)


def _fc_block(feat_ref, w_ref, lbl_ref, out_ref, *, bc):
    j = pl.program_id(0)
    w = w_ref[...]
    ss = jnp.sum(w * w, axis=1, keepdims=True)
    norm = jnp.maximum(jnp.sqrt(ss), 1e-12)
    wn = w / norm
    x = feat_ref[...]
    logits = lax.dot_general(
        wn, x, (((1,), (1,)), ((), ())),
        preferred_element_type=jnp.float32)
    lbl = lbl_ref[...]
    rows = j * bc + lax.broadcasted_iota(jnp.int32, logits.shape, 0)
    mh = jnp.where(rows == lbl, jnp.float32(MARGIN), jnp.float32(0.0))
    out_ref[...] = (logits - mh) * SCALE


def _fused_fc(features, sub_w, label2d, n_out, bc):
    b, d = features.shape
    grid = (n_out + bc - 1) // bc
    return pl.pallas_call(
        functools.partial(_fc_block, bc=bc),
        grid=(grid,),
        in_specs=[
            pl.BlockSpec((b, d), lambda j: (0, 0)),
            pl.BlockSpec((bc, d), lambda j: (j, 0)),
            pl.BlockSpec((1, b), lambda j: (0, 0)),
        ],
        out_specs=pl.BlockSpec((bc, b), lambda j: (j, 0)),
        out_shape=jax.ShapeDtypeStruct((n_out, b), jnp.float32),
    )(features, sub_w, label2d)


def kernel(total_features, weight, index, label):
    b, d = total_features.shape
    n = index.shape[0]

    pad_unit = NW * CHUNK
    b_pad = ((n + pad_unit - 1) // pad_unit) * pad_unit

    idx = index.astype(jnp.int32)
    idx_pad = jnp.concatenate(
        [idx, jnp.zeros((b_pad - n,), jnp.int32)])
    idx2d = idx_pad.reshape(NW, b_pad // (NW * CHUNK), CHUNK)

    sub_w = _gather_rows(idx2d, weight, b_pad, d)

    label2d = label.astype(jnp.int32).reshape(1, b)
    out_t = _fused_fc(total_features, sub_w, label2d, n, bc=2048)
    return out_t.T

# --- scband reference (transcript-rebuilt; emitter-appended) ---
"""Pipeline reference for scband-partial-fc-68977174774068 (READ-ONLY COPY).

The authoritative reference and input builder live on the scoring server;
editing this copy changes nothing except your own understanding.
"""

import jax, jax.numpy as jnp
import numpy as np

S = 64.0
M = 0.4


def setup_inputs(seed: int = 0) -> dict:
    key = jax.random.key(seed)
    k1, k2, k3, k4 = jax.random.split(key, 4)
    total_features = jax.random.normal(k1, (1024, 64), dtype=jnp.float32)
    # weight bank: 1M class centers, init N(0, 0.01) like the torch module
    weight = 0.01 * jax.random.normal(k2, (1000000, 64), dtype=jnp.float32)
    # sampled class-center indices (positive + random negatives), sorted as in sample()
    index = jnp.sort(jax.random.randint(k3, (100000,), 0, 1000000, dtype=jnp.int64))
    # remapped labels into the sampled sub-weight space [0, num_sample)
    label = jax.random.randint(k4, (1024,), 0, 100000, dtype=jnp.int64)
    return {"total_features": total_features, "weight": weight, "index": index, "label": label}


def reference(total_features, weight, index, label):
    # sample(): gather sampled class centers from the weight memory bank
    sub_weight = jnp.take(weight, index, axis=0)
    # prepare(): F.normalize(sub_weight) row-wise (eps=1e-12)
    norm = jnp.sqrt(jnp.sum(sub_weight * sub_weight, axis=1, keepdims=True))
    norm_weight = sub_weight / jnp.maximum(norm, 1e-12)
    # forward(): logits = X @ sample(W)^T
    logits = jnp.dot(total_features, norm_weight.T)
    # margin_softmax (CosFace): scatter margin m at the label column, scale by s
    b = logits.shape[0]
    m_hot = jnp.zeros_like(logits).at[jnp.arange(b), label].add(M)
    out = (logits - m_hot) * S
    return out

if __name__ == "__main__":
    import jax
    _d = setup_inputs()
    print(jax.jit(kernel)(*tuple(_d.values())))

</pallas_src>

<mosaic_0001>
#map = affine_map<(d0, d1) -> (0, 0, 0)>
#map1 = affine_map<(d0, d1) -> (0, 0)>
module attributes {stable_mosaic.version = 14 : i64} {
  func.func @gather_kernel(%arg0: i32, %arg1: i32, %arg2: memref<32x25x128xi32, #tpu.memory_space<hbm>>, %arg3: memref<1000000x64xf32, #tpu.memory_space<hbm>>, %arg4: memref<102400x64xf32, #tpu.memory_space<hbm>>, %arg5: memref<25x128xi32, #tpu.memory_space<vmem>>, %arg6: memref<2x128x64xf32, #tpu.memory_space<vmem>>, %arg7: memref<!tpu.dma_semaphore, #tpu.memory_space<semaphore_mem>>, %arg8: memref<!tpu.dma_semaphore, #tpu.memory_space<semaphore_mem>>) attributes {dimension_semantics = [#tpu.dimension_semantics<core_parallel>, #tpu.dimension_semantics<subcore_parallel>], iteration_bounds = array<i64: 2, 16>, scalar_prefetch = 0 : i64, scratch_operands = 4 : i64, tpu.core_type = #tpu.core_type<sc_vector_subcore>, window_params = [{transform_indices = #map}, {transform_indices = #map1}, {transform_indices = #map1}]} {
    %mul3A = arith.constant 2 : i32
    %mul3A_0 = arith.muli %arg1, %mul3A : i32
    %add3A = arith.addi %mul3A_0, %arg0 : i32
    %mul3A_1 = arith.constant 25 : i32
    %mul3A_2 = arith.muli %add3A, %mul3A_1 : i32
    "tpu.region"() ({
      %run_scoped3A = tpu.sem_alloc : memref<!tpu.dma_semaphore, #tpu.memory_space<semaphore_mem>>
      %dma_start3A_20 = arith.constant 0 : i32
      %dma_start3A_21 = arith.constant 0 : i32
      %dma_start3A_22 = tpu.memref_slice %arg2[%add3A, %dma_start3A_20, %dma_start3A_21] : memref<32x25x128xi32, #tpu.memory_space<hbm>> -> memref<1x25x128xi32, #tpu.memory_space<hbm>>
      %dma_start3A_23 = tpu.memref_squeeze %dma_start3A_22 : memref<1x25x128xi32, #tpu.memory_space<hbm>> -> memref<25x128xi32, #tpu.memory_space<hbm>>
      %dma_start3A_24 = arith.constant 0 : i32
      %dma_start3A_25 = arith.constant 0 : i32
      %dma_start3A_26 = tpu.memref_slice %arg2[%add3A, %dma_start3A_24, %dma_start3A_25] : memref<32x25x128xi32, #tpu.memory_space<hbm>> -> memref<1x25x128xi32, #tpu.memory_space<hbm>>
      %dma_start3A_27 = tpu.memref_squeeze %dma_start3A_26 : memref<1x25x128xi32, #tpu.memory_space<hbm>> -> memref<25x128xi32, #tpu.memory_space<hbm>>
      tpu.enqueue_dma source(%dma_start3A_27 : memref<25x128xi32, #tpu.memory_space<hbm>>) target(%arg5 : memref<25x128xi32, #tpu.memory_space<vmem>>) target_semaphore(%run_scoped3A : memref<!tpu.dma_semaphore, #tpu.memory_space<semaphore_mem>>)
      %dma_wait3A = arith.constant 0 : i32
      %dma_wait3A_28 = arith.constant 0 : i32
      %dma_wait3A_29 = tpu.memref_slice %arg2[%add3A, %dma_wait3A, %dma_wait3A_28] : memref<32x25x128xi32, #tpu.memory_space<hbm>> -> memref<1x25x128xi32, #tpu.memory_space<hbm>>
      %dma_wait3A_30 = tpu.memref_squeeze %dma_wait3A_29 : memref<1x25x128xi32, #tpu.memory_space<hbm>> -> memref<25x128xi32, #tpu.memory_space<hbm>>
      %dma_wait3A_31 = arith.constant 0 : i32
      %dma_wait3A_32 = arith.constant 0 : i32
      %dma_wait3A_33 = tpu.memref_slice %arg2[%add3A, %dma_wait3A_31, %dma_wait3A_32] : memref<32x25x128xi32, #tpu.memory_space<hbm>> -> memref<1x25x128xi32, #tpu.memory_space<hbm>>
      %dma_wait3A_34 = tpu.memref_squeeze %dma_wait3A_33 : memref<1x25x128xi32, #tpu.memory_space<hbm>> -> memref<25x128xi32, #tpu.memory_space<hbm>>
      tpu.wait_dma2 semaphore(%run_scoped3A : memref<!tpu.dma_semaphore, #tpu.memory_space<semaphore_mem>>) src(%dma_wait3A_34 : memref<25x128xi32, #tpu.memory_space<hbm>>) dst(%arg5 : memref<25x128xi32, #tpu.memory_space<vmem>>)
      tpu.yield
    }) : () -> ()
    %dma_start3A = arith.constant 0 : i32
    %dma_start3A_3 = arith.constant 0 : i32
    %dma_start3A_4 = arith.constant 0 : i32
    %dma_start3A_5 = arith.constant 0 : i32
    %dma_start3A_6 = tpu.memref_slice %arg6[%dma_start3A_3, %dma_start3A_4, %dma_start3A_5] : memref<2x128x64xf32, #tpu.memory_space<vmem>> -> memref<1x128x64xf32, #tpu.memory_space<vmem>>
    %dma_start3A_7 = tpu.memref_squeeze %dma_start3A_6 : memref<1x128x64xf32, #tpu.memory_space<vmem>> -> memref<128x64xf32, #tpu.memory_space<vmem>>
    %dma_start3A_8 = arith.constant 0 : i32
    %dma_start3A_9 = tpu.memref_slice %arg5[%dma_start3A, %dma_start3A_8] : memref<25x128xi32, #tpu.memory_space<vmem>> -> memref<1x128xi32, #tpu.memory_space<vmem>>
    %dma_start3A_10 = tpu.memref_squeeze %dma_start3A_9 : memref<1x128xi32, #tpu.memory_space<vmem>> -> memref<128xi32, #tpu.memory_space<vmem>>
    %dma_start3A_11 = arith.constant 0 : i32
    %dma_start3A_12 = arith.constant 0 : i32
    %dma_start3A_13 = tpu.memref_slice %arg3[%dma_start3A_11, %dma_start3A_12] : memref<1000000x64xf32, #tpu.memory_space<hbm>> -> memref<1000000x64xf32, #tpu.memory_space<hbm>>
    tpu.enqueue_indirect_dma source(%dma_start3A_13 : memref<1000000x64xf32, #tpu.memory_space<hbm>>) target(%dma_start3A_7 : memref<128x64xf32, #tpu.memory_space<vmem>>) offsets(%dma_start3A_10 : memref<128xi32, #tpu.memory_space<vmem>>) semaphore(%arg7 : memref<!tpu.dma_semaphore, #tpu.memory_space<semaphore_mem>>)
    %scan3A = arith.constant 0 : i32
    %scan3A_14 = arith.constant 0 : i32
    %scan3A_15 = arith.constant 25 : i32
    %scan3A_16 = arith.addi %scan3A_14, %scan3A_15 : i32
    %scan3A_17 = arith.constant 1 : i32
    %scan3A_18 = scf.for %scan3A_20 = %scan3A_14 to %scan3A_16 step %scan3A_17 iter_args(%scan3A_21 = %scan3A) -> (i32)  : i32 {
      %rem3A = arith.constant 2 : i32
      %rem3A_22 = arith.remsi %scan3A_20, %rem3A : i32
      %add3A_23 = arith.constant 1 : i32
      %add3A_24 = arith.addi %scan3A_20, %add3A_23 : i32
      %lt3A = arith.constant 25 : i32
      %lt3A_25 = arith.cmpi slt, %add3A_24, %lt3A : i32
      %convert_element_type3A = arith.extui %lt3A_25 : i1 to i32
      %cond3A = arith.constant 0 : i32
      %cond3A_26 = arith.cmpi ne, %convert_element_type3A, %cond3A : i32
      scf.if %cond3A_26 {
        %add3A_40 = arith.constant 1 : i32
        %add3A_41 = arith.addi %scan3A_20, %add3A_40 : i32
        %add3A_42 = arith.constant 1 : i32
        %add3A_43 = arith.addi %scan3A_20, %add3A_42 : i32
        %rem3A_44 = arith.constant 2 : i32
        %rem3A_45 = arith.remsi %add3A_43, %rem3A_44 : i32
        %eq3A_46 = arith.constant 0 : i32
        %eq3A_47 = arith.cmpi eq, %rem3A_45, %eq3A_46 : i32
        %convert_element_type3A_48 = arith.extui %eq3A_47 : i1 to i32
        %cond3A_49 = arith.constant 0 : i32
        %cond3A_50 = arith.cmpi ne, %convert_element_type3A_48, %cond3A_49 : i32
        scf.if %cond3A_50 {
          %dma_start3A_56 = arith.constant 0 : i32
          %dma_start3A_57 = arith.constant 0 : i32
          %dma_start3A_58 = arith.constant 0 : i32
          %dma_start3A_59 = tpu.memref_slice %arg6[%dma_start3A_56, %dma_start3A_57, %dma_start3A_58] : memref<2x128x64xf32, #tpu.memory_space<vmem>> -> memref<1x128x64xf32, #tpu.memory_space<vmem>>
          %dma_start3A_60 = tpu.memref_squeeze %dma_start3A_59 : memref<1x128x64xf32, #tpu.memory_space<vmem>> -> memref<128x64xf32, #tpu.memory_space<vmem>>
          %dma_start3A_61 = arith.constant 0 : i32
          %dma_start3A_62 = tpu.memref_slice %arg5[%add3A_41, %dma_start3A_61] : memref<25x128xi32, #tpu.memory_space<vmem>> -> memref<1x128xi32, #tpu.memory_space<vmem>>
          %dma_start3A_63 = tpu.memref_squeeze %dma_start3A_62 : memref<1x128xi32, #tpu.memory_space<vmem>> -> memref<128xi32, #tpu.memory_space<vmem>>
          %dma_start3A_64 = arith.constant 0 : i32
          %dma_start3A_65 = arith.constant 0 : i32
          %dma_start3A_66 = tpu.memref_slice %arg3[%dma_start3A_64, %dma_start3A_65] : memref<1000000x64xf32, #tpu.memory_space<hbm>> -> memref<1000000x64xf32, #tpu.memory_space<hbm>>
          tpu.enqueue_indirect_dma source(%dma_start3A_66 : memref<1000000x64xf32, #tpu.memory_space<hbm>>) target(%dma_start3A_60 : memref<128x64xf32, #tpu.memory_space<vmem>>) offsets(%dma_start3A_63 : memref<128xi32, #tpu.memory_space<vmem>>) semaphore(%arg7 : memref<!tpu.dma_semaphore, #tpu.memory_space<semaphore_mem>>)
        } else {
        }
        %eq3A_51 = arith.constant 1 : i32
        %eq3A_52 = arith.cmpi eq, %rem3A_45, %eq3A_51 : i32
        %convert_element_type3A_53 = arith.extui %eq3A_52 : i1 to i32
        %cond3A_54 = arith.constant 0 : i32
        %cond3A_55 = arith.cmpi ne, %convert_element_type3A_53, %cond3A_54 : i32
        scf.if %cond3A_55 {
          %dma_start3A_56 = arith.constant 1 : i32
          %dma_start3A_57 = arith.constant 0 : i32
          %dma_start3A_58 = arith.constant 0 : i32
          %dma_start3A_59 = tpu.memref_slice %arg6[%dma_start3A_56, %dma_start3A_57, %dma_start3A_58] : memref<2x128x64xf32, #tpu.memory_space<vmem>> -> memref<1x128x64xf32, #tpu.memory_space<vmem>>
          %dma_start3A_60 = tpu.memref_squeeze %dma_start3A_59 : memref<1x128x64xf32, #tpu.memory_space<vmem>> -> memref<128x64xf32, #tpu.memory_space<vmem>>
          %dma_start3A_61 = arith.constant 0 : i32
          %dma_start3A_62 = tpu.memref_slice %arg5[%add3A_41, %dma_start3A_61] : memref<25x128xi32, #tpu.memory_space<vmem>> -> memref<1x128xi32, #tpu.memory_space<vmem>>
          %dma_start3A_63 = tpu.memref_squeeze %dma_start3A_62 : memref<1x128xi32, #tpu.memory_space<vmem>> -> memref<128xi32, #tpu.memory_space<vmem>>
          %dma_start3A_64 = arith.constant 0 : i32
          %dma_start3A_65 = arith.constant 0 : i32
          %dma_start3A_66 = tpu.memref_slice %arg3[%dma_start3A_64, %dma_start3A_65] : memref<1000000x64xf32, #tpu.memory_space<hbm>> -> memref<1000000x64xf32, #tpu.memory_space<hbm>>
          tpu.enqueue_indirect_dma source(%dma_start3A_66 : memref<1000000x64xf32, #tpu.memory_space<hbm>>) target(%dma_start3A_60 : memref<128x64xf32, #tpu.memory_space<vmem>>) offsets(%dma_start3A_63 : memref<128xi32, #tpu.memory_space<vmem>>) semaphore(%arg8 : memref<!tpu.dma_semaphore, #tpu.memory_space<semaphore_mem>>)
        } else {
        }
      } else {
      }
      %eq3A = arith.constant 0 : i32
      %eq3A_27 = arith.cmpi eq, %rem3A_22, %eq3A : i32
      %convert_element_type3A_28 = arith.extui %eq3A_27 : i1 to i32
      %cond3A_29 = arith.constant 0 : i32
      %cond3A_30 = arith.cmpi ne, %convert_element_type3A_28, %cond3A_29 : i32
      scf.if %cond3A_30 {
        %dma_wait3A = arith.constant 0 : i32
        %dma_wait3A_40 = arith.constant 0 : i32
        %dma_wait3A_41 = arith.constant 0 : i32
        %dma_wait3A_42 = tpu.memref_slice %arg6[%dma_wait3A, %dma_wait3A_40, %dma_wait3A_41] : memref<2x128x64xf32, #tpu.memory_space<vmem>> -> memref<1x128x64xf32, #tpu.memory_space<vmem>>
        %dma_wait3A_43 = tpu.memref_squeeze %dma_wait3A_42 : memref<1x128x64xf32, #tpu.memory_space<vmem>> -> memref<128x64xf32, #tpu.memory_space<vmem>>
        %dma_wait3A_44 = arith.constant 0 : i32
        %dma_wait3A_45 = tpu.memref_slice %arg5[%scan3A_20, %dma_wait3A_44] : memref<25x128xi32, #tpu.memory_space<vmem>> -> memref<1x128xi32, #tpu.memory_space<vmem>>
        %dma_wait3A_46 = tpu.memref_squeeze %dma_wait3A_45 : memref<1x128xi32, #tpu.memory_space<vmem>> -> memref<128xi32, #tpu.memory_space<vmem>>
        %dma_wait3A_47 = arith.constant 0 : i32
        %dma_wait3A_48 = arith.constant 0 : i32
        %dma_wait3A_49 = tpu.memref_slice %arg3[%dma_wait3A_47, %dma_wait3A_48] : memref<1000000x64xf32, #tpu.memory_space<hbm>> -> memref<1000000x64xf32, #tpu.memory_space<hbm>>
        tpu.wait_indirect_dma semaphore(%arg7 : memref<!tpu.dma_semaphore, #tpu.memory_space<semaphore_mem>>) src(%dma_wait3A_49 : memref<1000000x64xf32, #tpu.memory_space<hbm>>) dst(%dma_wait3A_43 : memref<128x64xf32, #tpu.memory_space<vmem>>)
      } else {
      }
      %eq3A_31 = arith.constant 1 : i32
      %eq3A_32 = arith.cmpi eq, %rem3A_22, %eq3A_31 : i32
      %convert_element_type3A_33 = arith.extui %eq3A_32 : i1 to i32
      %cond3A_34 = arith.constant 0 : i32
      %cond3A_35 = arith.cmpi ne, %convert_element_type3A_33, %cond3A_34 : i32
      scf.if %cond3A_35 {
        %dma_wait3A = arith.constant 1 : i32
        %dma_wait3A_40 = arith.constant 0 : i32
        %dma_wait3A_41 = arith.constant 0 : i32
        %dma_wait3A_42 = tpu.memref_slice %arg6[%dma_wait3A, %dma_wait3A_40, %dma_wait3A_41] : memref<2x128x64xf32, #tpu.memory_space<vmem>> -> memref<1x128x64xf32, #tpu.memory_space<vmem>>
        %dma_wait3A_43 = tpu.memref_squeeze %dma_wait3A_42 : memref<1x128x64xf32, #tpu.memory_space<vmem>> -> memref<128x64xf32, #tpu.memory_space<vmem>>
        %dma_wait3A_44 = arith.constant 0 : i32
        %dma_wait3A_45 = tpu.memref_slice %arg5[%scan3A_20, %dma_wait3A_44] : memref<25x128xi32, #tpu.memory_space<vmem>> -> memref<1x128xi32, #tpu.memory_space<vmem>>
        %dma_wait3A_46 = tpu.memref_squeeze %dma_wait3A_45 : memref<1x128xi32, #tpu.memory_space<vmem>> -> memref<128xi32, #tpu.memory_space<vmem>>
        %dma_wait3A_47 = arith.constant 0 : i32
        %dma_wait3A_48 = arith.constant 0 : i32
        %dma_wait3A_49 = tpu.memref_slice %arg3[%dma_wait3A_47, %dma_wait3A_48] : memref<1000000x64xf32, #tpu.memory_space<hbm>> -> memref<1000000x64xf32, #tpu.memory_space<hbm>>
        tpu.wait_indirect_dma semaphore(%arg8 : memref<!tpu.dma_semaphore, #tpu.memory_space<semaphore_mem>>) src(%dma_wait3A_49 : memref<1000000x64xf32, #tpu.memory_space<hbm>>) dst(%dma_wait3A_43 : memref<128x64xf32, #tpu.memory_space<vmem>>)
      } else {
      }
      %add3A_36 = arith.addi %mul3A_2, %scan3A_20 : i32
      %mul3A_37 = arith.constant 128 : i32
      %mul3A_38 = arith.muli %add3A_36, %mul3A_37 : i32
      "tpu.region"() ({
        %run_scoped3A = tpu.sem_alloc : memref<!tpu.dma_semaphore, #tpu.memory_space<semaphore_mem>>
        %dma_start3A_40 = arith.constant 0 : i32
        %dma_start3A_41 = arith.constant 0 : i32
        %dma_start3A_42 = tpu.memref_slice %arg6[%rem3A_22, %dma_start3A_40, %dma_start3A_41] : memref<2x128x64xf32, #tpu.memory_space<vmem>> -> memref<1x128x64xf32, #tpu.memory_space<vmem>>
        %dma_start3A_43 = tpu.memref_squeeze %dma_start3A_42 : memref<1x128x64xf32, #tpu.memory_space<vmem>> -> memref<128x64xf32, #tpu.memory_space<vmem>>
        %dma_start3A_44 = arith.constant 0 : i32
        %dma_start3A_45 = tpu.memref_slice %arg4[%mul3A_38, %dma_start3A_44] : memref<102400x64xf32, #tpu.memory_space<hbm>> -> memref<128x64xf32, #tpu.memory_space<hbm>>
        %dma_start3A_46 = arith.constant 0 : i32
        %dma_start3A_47 = tpu.memref_slice %arg4[%mul3A_38, %dma_start3A_46] : memref<102400x64xf32, #tpu.memory_space<hbm>> -> memref<128x64xf32, #tpu.memory_space<hbm>>
        %dma_start3A_48 = arith.constant 0 : i32
        %dma_start3A_49 = arith.constant 0 : i32
        %dma_start3A_50 = tpu.memref_slice %arg6[%rem3A_22, %dma_start3A_48, %dma_start3A_49] : memref<2x128x64xf32, #tpu.memory_space<vmem>> -> memref<1x128x64xf32, #tpu.memory_space<vmem>>
        %dma_start3A_51 = tpu.memref_squeeze %dma_start3A_50 : memref<1x128x64xf32, #tpu.memory_space<vmem>> -> memref<128x64xf32, #tpu.memory_space<vmem>>
        tpu.enqueue_dma source(%dma_start3A_51 : memref<128x64xf32, #tpu.memory_space<vmem>>) target(%dma_start3A_47 : memref<128x64xf32, #tpu.memory_space<hbm>>) target_semaphore(%run_scoped3A : memref<!tpu.dma_semaphore, #tpu.memory_space<semaphore_mem>>)
        %dma_wait3A = arith.constant 0 : i32
        %dma_wait3A_52 = arith.constant 0 : i32
        %dma_wait3A_53 = tpu.memref_slice %arg6[%rem3A_22, %dma_wait3A, %dma_wait3A_52] : memref<2x128x64xf32, #tpu.memory_space<vmem>> -> memref<1x128x64xf32, #tpu.memory_space<vmem>>
        %dma_wait3A_54 = tpu.memref_squeeze %dma_wait3A_53 : memref<1x128x64xf32, #tpu.memory_space<vmem>> -> memref<128x64xf32, #tpu.memory_space<vmem>>
        %dma_wait3A_55 = arith.constant 0 : i32
        %dma_wait3A_56 = tpu.memref_slice %arg4[%mul3A_38, %dma_wait3A_55] : memref<102400x64xf32, #tpu.memory_space<hbm>> -> memref<128x64xf32, #tpu.memory_space<hbm>>
        %dma_wait3A_57 = arith.constant 0 : i32
        %dma_wait3A_58 = tpu.memref_slice %arg4[%mul3A_38, %dma_wait3A_57] : memref<102400x64xf32, #tpu.memory_space<hbm>> -> memref<128x64xf32, #tpu.memory_space<hbm>>
        %dma_wait3A_59 = arith.constant 0 : i32
        %dma_wait3A_60 = arith.constant 0 : i32
        %dma_wait3A_61 = tpu.memref_slice %arg6[%rem3A_22, %dma_wait3A_59, %dma_wait3A_60] : memref<2x128x64xf32, #tpu.memory_space<vmem>> -> memref<1x128x64xf32, #tpu.memory_space<vmem>>
        %dma_wait3A_62 = tpu.memref_squeeze %dma_wait3A_61 : memref<1x128x64xf32, #tpu.memory_space<vmem>> -> memref<128x64xf32, #tpu.memory_space<vmem>>
        tpu.wait_dma2 semaphore(%run_scoped3A : memref<!tpu.dma_semaphore, #tpu.memory_space<semaphore_mem>>) src(%dma_wait3A_62 : memref<128x64xf32, #tpu.memory_space<vmem>>) dst(%dma_wait3A_58 : memref<128x64xf32, #tpu.memory_space<hbm>>)
        tpu.yield
      }) : () -> ()
      %scan3A_39 = arith.constant 0 : i32
      scf.yield %scan3A_39 : i32
    }
    %scan3A_19 = arith.constant 25 : i32
    return
  }
}

module attributes {stable_mosaic.version = 14 : i64} {
  func.func @_fc_block(%arg0: i32, %arg1: memref<1024x64xf32, #tpu.memory_space<vmem>>, %arg2: memref<2048x64xf32, #tpu.memory_space<vmem>>, %arg3: memref<1x1024xi32, #tpu.memory_space<vmem>>, %arg4: memref<2048x1024xf32, #tpu.memory_space<vmem>>) attributes {dimension_semantics = [#tpu.dimension_semantics<arbitrary>], iteration_bounds = array<i64: 49>, scalar_prefetch = 0 : i64, scratch_operands = 0 : i64, tpu.core_type = #tpu.core_type<tc>, window_params = [{pipeline_mode = #tpu.pipeline_mode<synchronous>, transform_indices = @transform_0, window_bounds = array<i64: 1024, 64>}, {transform_indices = @transform_1, window_bounds = array<i64: 2048, 64>}, {pipeline_mode = #tpu.pipeline_mode<synchronous>, transform_indices = @transform_2, window_bounds = array<i64: 1, 1024>}, {transform_indices = @transform_3, window_bounds = array<i64: 2048, 1024>}]} {
    %get3A = arith.constant 0 : index
    %get3A_0 = arith.constant 0 : index
    %get3A_1 = vector.load %arg2[%get3A, %get3A_0] : memref<2048x64xf32, #tpu.memory_space<vmem>>, vector<2048x64xf32>
    %mul3A = arith.mulf %get3A_1, %get3A_1 : vector<2048x64xf32>
    %reduce_sum3A = arith.constant dense<0.000000e+00> : vector<2048xf32>
    %reduce_sum3A_2 = vector.multi_reduction <add>, %mul3A, %reduce_sum3A [1] : vector<2048x64xf32> to vector<2048xf32>
    %broadcast_in_dim3A = vector.shape_cast %reduce_sum3A_2 : vector<2048xf32> to vector<2048x1xf32>
    %sqrt3A = math.sqrt %broadcast_in_dim3A : vector<2048x1xf32>
    %max3A = arith.constant 9.99999996E-13 : f32
    %max3A_3 = vector.broadcast %max3A : f32 to vector<2048x1xf32>
    %max3A_4 = arith.maximumf %sqrt3A, %max3A_3 : vector<2048x1xf32>
    %div3A = vector.broadcast %max3A_4 : vector<2048x1xf32> to vector<2048x64xf32>
    %div3A_5 = arith.divf %get3A_1, %div3A : vector<2048x64xf32>
    %get3A_6 = arith.constant 0 : index
    %get3A_7 = arith.constant 0 : index
    %get3A_8 = vector.load %arg1[%get3A_6, %get3A_7] : memref<1024x64xf32, #tpu.memory_space<vmem>>, vector<1024x64xf32>
    %dot_general3A = arith.constant dense<0.000000e+00> : vector<2048x1024xf32>
    %dot_general3A_9 = tpu.matmul %div3A_5, %get3A_8, %dot_general3A {dimension_numbers = #tpu.dot_dimension_numbers<[1], [1], [0], [0], [0, 0, 1, 0], [], []>, transpose_lhs_hint = false} : vector<2048x64xf32>, vector<1024x64xf32>, vector<2048x1024xf32> -> vector<2048x1024xf32>
    %get3A_10 = arith.constant 0 : index
    %get3A_11 = arith.constant 0 : index
    %get3A_12 = vector.load %arg3[%get3A_10, %get3A_11] : memref<1x1024xi32, #tpu.memory_space<vmem>>, vector<1x1024xi32>
    %mul3A_13 = arith.constant 2048 : i32
    %mul3A_14 = arith.muli %arg0, %mul3A_13 : i32
    %iota3A = tpu.iota {dimensions = array<i32: 0>} : vector<2048x1024xi32>
    %add3A = vector.broadcast %mul3A_14 : i32 to vector<2048x1024xi32>
    %add3A_15 = arith.addi %add3A, %iota3A : vector<2048x1024xi32>
    %eq3A = vector.broadcast %get3A_12 : vector<1x1024xi32> to vector<2048x1024xi32>
    %eq3A_16 = arith.cmpi eq, %add3A_15, %eq3A : vector<2048x1024xi32>
    %jit3A = arith.constant 4.000000e-01 : f32
    %jit3A_17 = arith.constant 0.000000e+00 : f32
    %broadcast_in_dim3A_18 = vector.broadcast %jit3A : f32 to vector<2048x1024xf32>
    %broadcast_in_dim3A_19 = vector.broadcast %jit3A_17 : f32 to vector<2048x1024xf32>
    %select_n3A = arith.select %eq3A_16, %broadcast_in_dim3A_18, %broadcast_in_dim3A_19 : vector<2048x1024xi1>, vector<2048x1024xf32>
    %sub3A = arith.subf %dot_general3A_9, %select_n3A : vector<2048x1024xf32>
    %mul3A_20 = arith.constant 6.400000e+01 : f32
    %mul3A_21 = vector.broadcast %mul3A_20 : f32 to vector<2048x1024xf32>
    %mul3A_22 = arith.mulf %sub3A, %mul3A_21 : vector<2048x1024xf32>
    %swap3A = arith.constant 0 : index
    %swap3A_23 = arith.constant 0 : index
    %swap3A_24 = vector.load %arg4[%swap3A, %swap3A_23] : memref<2048x1024xf32, #tpu.memory_space<vmem>>, vector<2048x1024xf32>
    tpu.vector_store %arg4[%swap3A, %swap3A_23], %mul3A_22 {strides = array<i32>} : memref<2048x1024xf32, #tpu.memory_space<vmem>>, vector<2048x1024xf32>,
    return
  }
  func.func @transform_0(%arg0: i32) -> (i32, i32) {
    %c0_i32 = arith.constant 0 : i32
    %c0_i32_0 = arith.constant 0 : i32
    %c0_i32_1 = arith.constant 0 : i32
    return %c0_i32, %c0_i32_0 : i32, i32
  }
  func.func @transform_1(%arg0: i32) -> (i32, i32) {
    %c0_i32 = arith.constant 0 : i32
    %c0_i32_0 = arith.constant 0 : i32
    return %arg0, %c0_i32 : i32, i32
  }
  func.func @transform_2(%arg0: i32) -> (i32, i32) {
    %c0_i32 = arith.constant 0 : i32
    %c0_i32_0 = arith.constant 0 : i32
    %c0_i32_1 = arith.constant 0 : i32
    return %c0_i32, %c0_i32_0 : i32, i32
  }
  func.func @transform_3(%arg0: i32) -> (i32, i32) {
    %c0_i32 = arith.constant 0 : i32
    %c0_i32_0 = arith.constant 0 : i32
    return %arg0, %c0_i32 : i32, i32
  }
}

</mosaic_0001>

<sc_bundles>
// kernel: kernel.4.cloned.1.call-start
scs
__scs_entry_jumppad:
0x0: {  	(pc) =	sbr.rel $0x88, $3  }
0x1: {  	(tag) =	ssettag $0x0;
	lr =	simm.s32 $0x1  }
0x2: {  	[smem:$0x3F9D] =	sst lr;
	_ =	strace $0xD0000000  }
0x3: {  	_ = 	snop  }
0x4: {  	_ = 	snop  }
0x5: {  	_ = 	snop  }
0x6: {  	_ = 	snop  }
0x7: {  	_ = 	snop  }
__scs_overlays_trampoline_lowered:
0x8: {  	[smem:$0x3FAC] =	sst s0  }
0x9: {  	[smem:$0x3FAD] =	sst s1  }
0xa: {  	[smem:$0x3FAE] =	sst s2  }
0xb: {  	[smem:$0x3FAF] =	sst s3  }
0xc: {  	[smem:$0x3FB0] =	sst s4  }
0xd: {  	[smem:$0x3FB1] =	sst s5  }
0xe: {  	[smem:$0x3FB2] =	sst s6  }
0xf: {  	[smem:$0x3FB3] =	sst s7  }
0x10: {  	[smem:$0x3FB4] =	sst s8  }
0x11: {  	[smem:$0x3FB5] =	sst s9;
	s0 =	simm.s32 @!p0 $0x0  }
0x12: {  	s1 =	sld [smem:$0x3F9B];
	s0 =	simm.s32 @p0 $0x1  }
0x13: {  	[smem:$0x3FB6] =	sst s0;
	s0 =	simm.s32 @!p1 $0x0  }
0x14: {  	s2 =	sld [smem:$0x3F9A];
	s0 =	simm.s32 @p1 $0x1  }
0x15: {  	[smem:$0x3FB7] =	sst s0;
	s0 =	simm.s32 @!p2 $0x0  }
0x16: {  	s3 =	sld [smem:$0x3FDB];
	s0 =	simm.s32 @p2 $0x1  }
0x17: {  	s4 =	simm.s32 $0x1BF5;
	[smem:$0x3FB9] =	sst s0  }
0x18: {  	s0 =	sld [smem:$0x3F9C];
	_ =	swait.ge [sflag:s4], $0x0  }
0x19: {  	s7 =	sld [smem:$0x3F9D]  }
0x1a: {  	s8 =	sadd.s32 $0xFFFFE003, lr  }
0x1b: {  	s9 =	sadd.s32 $0xFFFFFEF7, lr;
	s5 =	simm.s32 $0xFFFFFFFF;
	p2 =	slt.u32 s8, $0xFFFFF086  }
0x1c: {  	p1 =	slt.u32 s9, $0xF7A;
	s5 =	simm.s32 @!p2 $0x0  }
0x1d: {  	s5 =	simm.s32 @p1 $0x1;
	p0 =	seq.s32 s7, s2  }
0x1e: {  	s7 =	smul.u32 @!p0 $0xF7A, s2;
	p2 =	seq.s32 @!p0 s5, $0x0  }
0x1f: {  	s9 =	smul.u32 $0xF7A, s1;
	s8 =	simm.s32 @!p0 $0x1BF5;
	p2 =	por !p2, p0  }
0x20: {  	[sflag:s8] =	ssyncset.s32 @!p0 $0xFFFFF086;
	s6 =	sadd.s32 @!p0 s3, s7;
	s7 =	simm.s32 @!p0 $0x108  }
0x21: {  	s3 =	sadd.s32 s3, s9;
	s6 =	sadd.s32 @!p0 $0x88, s6;
	s7 =	simm.s32 @p2 $0x1082  }
0x22: {  	[simem:s7], [sflag:s8] =	dma.local @!p0 [hbm:s6], $0xF7A  }
0x23: {  	s9 =	sor.u32 $0xD0000000, s2;
	s6 =	simm.s32 $0x108;
	_ =	swait.ge @!p0 [sflag:s8], $0x0  }
0x24: {  	s3 =	sadd.s32 $0x88, s3;
	s6 =	simm.s32 @!p1 $0x1082;
	[sflag:s4] =	ssyncset.s32 $0xFFFFF086  }
0x25: {  	[simem:s6], [sflag:s4] =	dma.local [hbm:s3], $0xF7A  }
0x26: {  	[smem:$0x3F9D] =	sst s1;
	(tag) =	ssettag s2;
	_ =	strace s9  }
0x27: {  	s1 =	sld [smem:$0x3FAD]  }
0x28: {  	s2 =	sld [smem:$0x3FAE]  }
0x29: {  	s4 =	sld [smem:$0x3FB0]  }
0x2a: {  	p0 =	seq.s32 s5, $0x0;
	s5 =	sld [smem:$0x3FB1]  }
0x2b: {  	s6 =	sld [smem:$0x3FB2]  }
0x2c: {  	s7 =	sld [smem:$0x3FB3]  }
0x2d: {  	s3 =	simm.s32 $0x108;
	s8 =	sld [smem:$0x3FB4]  }
0x2e: {  	s3 =	simm.s32 @!p0 $0x1082;
	s9 =	sld [smem:$0x3FB5]  }
0x2f: {  	lr =	sadd.s32 s0, s3;
	s0 =	sld [smem:$0x3FAC]  }
0x30: {  	s3 =	sld [smem:$0x3FAF]  }
0x31: {  	[smem:$0x3FB8] =	sst s10  }
0x32: {  	s10 =	sld [smem:$0x3FB6];
	_ =	sdelay $0x3  }
0x33: {  	p0 =	seq.s32 s10, $0x1;
	s10 =	sld [smem:$0x3FB8];
	_ =	sdelay $0x3  }
0x34: {  	[smem:$0x3FB8] =	sst s10  }
0x35: {  	s10 =	sld [smem:$0x3FB7];
	_ =	sdelay $0x3  }
0x36: {  	p1 =	seq.s32 s10, $0x1;
	s10 =	sld [smem:$0x3FB8];
	_ =	sdelay $0x3  }
0x37: {  	[smem:$0x3FB8] =	sst s10  }
0x38: {  	s10 =	sld [smem:$0x3FB9]  }
0x39: {  	_ = 	snop;
	(pc) =	sbr.ind lr, $3  }
0x3a: {  	_ = 	snop  }
0x3b: {  	_ = 	snop  }
0x3c: {  	p2 =	seq.s32 s10, $0x1;
	s10 =	sld [smem:$0x3FB8]  }
0x3d: {  	_ =	shalt  }
0x3e: {  	_ =	shalt  }
0x3f: {  	_ =	shalt  }
0x40: {  	_ =	shalt  }
0x41: {  	_ =	shalt  }
0x42: {  	_ =	shalt  }
0x43: {  	_ =	shalt  }
0x44: {  	_ =	shalt  }
0x45: {  	_ =	shalt  }
0x46: {  	_ =	shalt  }
0x47: {  	_ =	shalt  }
0x48: {  	_ =	shalt  }
0x49: {  	_ =	shalt  }
0x4a: {  	_ =	shalt  }
0x4b: {  	_ =	shalt  }
0x4c: {  	_ =	shalt  }
0x4d: {  	_ =	shalt  }
0x4e: {  	_ =	shalt  }
0x4f: {  	_ =	shalt  }
0x50: {  	_ =	shalt  }
0x51: {  	_ =	shalt  }
0x52: {  	_ =	shalt  }
0x53: {  	_ =	shalt  }
0x54: {  	_ =	shalt  }
0x55: {  	_ =	shalt  }
0x56: {  	_ =	shalt  }
0x57: {  	_ =	shalt  }
0x58: {  	_ =	shalt  }
0x59: {  	_ =	shalt  }
0x5a: {  	_ =	shalt  }
0x5b: {  	_ =	shalt  }
0x5c: {  	_ =	shalt  }
0x5d: {  	_ =	shalt  }
0x5e: {  	_ =	shalt  }
0x5f: {  	_ =	shalt  }
0x60: {  	_ =	shalt  }
0x61: {  	_ =	shalt  }
0x62: {  	_ =	shalt  }
0x63: {  	_ =	shalt  }
0x64: {  	_ =	shalt  }
0x65: {  	_ =	shalt  }
0x66: {  	_ =	shalt  }
0x67: {  	_ =	shalt  }
0x68: {  	_ =	shalt  }
0x69: {  	_ =	shalt  }
0x6a: {  	_ =	shalt  }
0x6b: {  	_ =	shalt  }
0x6c: {  	_ =	shalt  }
0x6d: {  	_ =	shalt  }
0x6e: {  	_ =	shalt  }
0x6f: {  	_ =	shalt  }
0x70: {  	_ =	shalt  }
0x71: {  	_ =	shalt  }
0x72: {  	_ =	shalt  }
0x73: {  	_ =	shalt  }
0x74: {  	_ =	shalt  }
0x75: {  	_ =	shalt  }
0x76: {  	_ =	shalt  }
0x77: {  	_ =	shalt  }
0x78: {  	_ =	shalt  }
0x79: {  	_ =	shalt  }
0x7a: {  	_ =	shalt  }
0x7b: {  	_ =	shalt  }
0x7c: {  	_ =	shalt  }
0x7d: {  	_ =	shalt  }
0x7e: {  	_ =	shalt  }
0x7f: {  	_ =	shalt  }
0x80: {  	_ =	shalt  }
0x81: {  	_ =	shalt  }
0x82: {  	_ =	shalt  }
0x83: {  	_ =	shalt  }
0x84: {  	_ =	shalt  }
0x85: {  	_ =	shalt  }
0x86: {  	_ =	shalt  }
0x87: {  	_ =	shalt  }
.Lfunc_end0:
.L_simem_size_0:
called_computation_lowered:
.L_overlay_start_0:
0x88: {  	s2 =	sld [smem:$0x3FD9]  }
0x89: {  	s3 =	sld [smem:$0x3FFE];
	_ =	sdelay $0x1  }
0x8a: {  	s1 =	srdreg.scid  }
0x8b: {  	s0 =	sand.u32 $0x1, s1  }
0x8c: {  	s17 =	sshll.u32 s0, $0xA;
	s2 =	sadd.s32 s3, s2  }
0x8d: {  	s2 =	sadd.s32 s2, s17  }
0x8e: {  	[smem:$0x3FC4] =	sst s2  }
0x8f: {  	_ = 	snop  }
0x90: {  	s2 =	sld [smem:$0x3FD0];
	(tm) =	ssettm $0x1  }
0x91: {  	s18 =	sld [smem:$0x3FFB];
	_ =	sdelay $0x3  }
0x92: {  	_ =	strace s18  }
0x93: {  	s3 =	sld [smem:$0x3FFC];
	_ =	sdelay $0x3  }
0x94: {  	_ =	strace s3  }
0x95: {  	s3 =	sld [smem:$0x3FFD];
	_ =	sdelay $0x3  }
0x96: {  	_ =	strace s3  }
0x97: {  	_ =	strace $0x8FFFFFFF  }
0x98: {  	s19 =	sld [smem:$0x3FDB];
	_ =	sdelay $0x1  }
0x99: {  	s4 =	simm.s32 $_scs_section_size  }
0x9a: {  	s5 =	simm.s32 $_size__tile_overlayer_lowered;
	s6 =	simm.s32 $_tile_overlayer_lowered  }
0x9b: {  	s22 =	simm.s32 $0x1BFF;
	s21 =	sshll.u32 s6, $0x1;
	s3 =	sadd.s32 s4, s19  }
0x9c: {  	s7 =	simm.s32 $0x0;
	s20 =	sshll.u32 s5, $0x1;
	s5 =	sadd.s32 s21, s3  }
0x9d: {  	[timem:s7], [sflag:s22] =	dma.local [hbm:s5], s20  }
0x9e: {  	_ =	swait.ge [sflag:s22], s20  }
0x9f: {  	s4 =	ssub.s32 $0x0, s20;
	[sflag:s22] =	ssyncset.done $0x0  }
0xa0: {  	[sflag:s22] =	ssyncadd.s32 s4;
	_ =	sdelay $0x1  }
0xa1: {  	s23 =	simm.s32 $0x1B8B  }
0xa2: {  	_ =	swait.ge [sflag:s23], $0x1  }
0xa3: {  	[sflag:s23] =	ssyncset.done $0x0  }
0xa4: {  	s25 =	simm.s32 $0x1B8E;
	s24 =	sld [smem:$0x3FFE];
	[sflag:s23] =	ssyncadd.s32 $0xFFFFFFFF  }
0xa5: {  	s26 =	simm.s32 $execute0_lowered;
	[smem:$0x3FD2] =	sst s25  }
0xa6: {  	s5 =	sshll.u32 s26, $0x1;
	_ =	strace $0x80000046;
	[dreg:$0x1] =	wrdreg $0xFFFFFFFF  }
0xa7: {  	s28 =	simm.s32 $_size_execute0_lowered;
	s3 =	sadd.s32 s3, s5;
	[dreg:$0x0] =	wrdreg $0x0  }
0xa8: {  	s5 =	sshll.u32 s28, $0x1;
	[dreg:$0x2] =	wrdreg s3  }
0xa9: {  	[dreg:$0x3] =	wrdreg s5  }
0xaa: {  	[dreg:$0x4] =	wrdreg $0xC0  }
0xab: {  	_ =	task [dreg:s7], $0x5FFFF  }
0xac: {  	[dreg:$0x1] =	wrdreg $0xFFFFFFFF  }
0xad: {  	[dreg:$0x0] =	wrdreg $0x60  }
0xae: {  	[dreg:$0x2] =	wrdreg s24  }
0xaf: {  	[dreg:$0x3] =	wrdreg s2  }
0xb0: {  	[dreg:$0x4] =	wrdreg $0x9  }
0xb1: {  	_ =	task.clear_ibuf [dreg:s7], $0x5FFFF;
	_ =	strace $0x90000046  }
0xb2: {  	s29 =	simm.s32 $0x9;
	_ =	strace $0x80000048  }
0xb3: {  	_ =	swait.ge [sflag:s29], $0x1  }
0xb4: {  	[sflag:s29] =	ssyncadd.s32 $0xFFFFFFFF  }
0xb5: {  	_ =	strace $0x90000048  }
0xb6: {  	_ =	sfence  }
0xb7: {  	s30 =	sld [smem:$0x0];
	_ =	sdelay $0x2  }
0xb8: {  	s31 =	sshll.u32 s1, $0xD;
	s1 =	sshrl.u32 s1, $0x2  }
0xb9: {  	s3 =	sand.u32 $0x4000, s31;
	s1 =	sadd.s32 s1, s30  }
0xba: {  	s0 =	sor.u32 s3, s0;
	s1 =	sshll.u32 s1, $0x11  }
0xbb: {  	s0 =	sor.u32 s1, s0  }
0xbc: {  	s0 =	sadd.s32 $0x8F2B, s0  }
0xbd: {  	[sflag:s0] =	ssyncadd.remote.s32 $0x1  }
0xbe: {  	_ =	sfence.sel $0xFFFF  }
0xbf: {  	[dreg:$0x0] =	wrdreg $0xFFFFFFFF;
	(pc) =	sbr.abs _section_cstart, $3  }
0xc0: {  	[dreg:$0x1] =	wrdreg $0xFFFFFFFF  }
0xc1: {  	_ =	task.clear_ibuf [dreg:s7], $0x2FFFF;
	_ =	strace $0x9FFFFFFF  }
0xc2: {  	(tm) =	ssettm $0x7FFFFFFF  }
0xc3: {  	_ =	shalt  }
tec
execute0_lowered:
.L_overlay_start_1:
0x0: {  	(tag) =	ssettag $0x1  }
0x1: {  	s4 =	rddreg [dreg:$0x0]  }
0x2: {  	s1 =	srdreg.scid;
	s0 =	stileid.u32  }
0x3: {  	s2 =	rddreg [dreg:$0x1];
	s3 =	simm.s32 $0x0;
	s11 =	simm.s32 $0x0  }
0x4: {  	s5 =	sand.u32 $0x1, s1;
	s6 =	sshll.u32 s0, $0x1;
	s1 =	rddreg [dreg:$0x2]  }
0x5: {  	[smem:$0x7FF] =	sst s3;
	s9 =	sadd.s32 $0x3C00, s4;
	s10 =	smul.u32 $0xC800, s0  }
0x6: {  	s6 =	sor.u32 s5, s6;
	s8 =	ssub.s32 $0x2, s5;
	s30 =	smul.u32 $0x6400, s5  }
0x7: {  	_ =	strace $0x80000047;
	s7 =	smul.u32 $0x190, s6;
	s29 =	sshrl.u32 s8, $0x1  }
0x8: {  	s6 =	smul.u32 $0x6400, s6;
	s31 =	sadd.s32 s10, s9;
	s8 =	ssub.s32 s8, s29  }
0x9: {  	s10 =	simm.s32 $0x1;
	s7 =	sadd.s32 s7, s4;
	s5 =	smax.u32 s8, $0x1  }
0xa: {  	s6 =	sadd.s32 s9, s6;
	s8 =	simm.s32 $0x3;
	s9 =	simm.s32 $0xC80  }
0xb: {  	s4 =	sadd.s32 $0xA00, s7;
	s6 =	sadd.s32 $0x6000, s6;
	s7 =	sadd.s32 s30, s31  }
.LBB2_1:
0xc: {  	[tilespmem:s3], [sflag:$0x3] =	stream.linear.gather [hbm4b:s4+s3], $0xC80, $0x38;
	[tilespmem:$0x4C80] =	vst v63  }
0xd: {  	_ =	swait.ge [sflag:s8], $0xC80  }
0xe: {  	s13 =	sand.u32 $0x1, s10;
	[sflag:s8] =	ssyncset.done $0x0  }
0xf: {  	s12 =	simm.s32 $0x80;
	p0 =	seq.s32 s13, $0x1;
	[sflag:s8] =	ssyncadd.s32 $0xFFFFF380  }
0x10: {  	[tilespmem:s9], [sflag:$0x1] =	stream.indirect.gather [hbm4b:s2+s12], $0x40, s3, s12, $0xb8;
	[tilespmem:$0x4C80] =	vst v63  }
0x11: {  	s30 =	simm.s32 $0x0;
	s14 =	simm.s32 @p0 $0x80;
	s15 =	simm.s32 @p0 $0x2C80  }
0x12: {  	[tilespmem:s15], [sflag:$0x2] =	stream.indirect.gather @p0 [hbm4b:s2+s14], $0x40, s12, s14, $0xb8;
	[tilespmem:$0x4C80] =	vst v63  }
0x13: {  	s13 =	sand.u32 $0x1, s30;
	s14 =	simm.s32 @!p0 $0x80;
	s15 =	simm.s32 @!p0 $0xC80  }
0x14: {  	[tilespmem:s15], [sflag:$0x1] =	stream.indirect.gather @!p0 [hbm4b:s2+s14], $0x40, s12, s14, $0xb8;
	[tilespmem:$0x4C80] =	vst v63  }
0x15: {  	p0 =	seq.s32 s13, $0x1;
	s12 =	simm.s32 $0x2  }
0x16: {  	s12 =	simm.s32 @!p0 $0x1  }
0x17: {  	s31 =	sand.u32 $0x8000, s3;
	_ =	swait.ge [sflag:s12], $0x2000  }
0x18: {  	s16 =	simm.s32 $0x2;
	s13 =	sshrl.u32 s31, $0x2;
	[sflag:s12] =	ssyncset.done $0x0  }
0x19: {  	s15 =	simm.s32 $0x3;
	s13 =	sor.u32 $0xC80, s13;
	[sflag:s12] =	ssyncadd.s32 $0xFFFFE000  }
0x1a: {  	[hbm4b:s7+s3] =	stream.linear.scatter [tilespmem:s13], [sflag:$0x3], $0x2000, $0x38;
	[tilespmem:$0x4C80] =	vst v63  }
0x1b: {  	s14 =	simm.s32 $0x100;
	s12 =	sadd.s32 $0x400, s7;
	s13 =	simm.s32 $0x8000  }
.LBB2_2:
0x1c: {  	s17 =	sand.u32 $0x1, s16;
	_ =	swait.ge [sflag:s8], $0x2000;
	s18 =	smov.u32 s15  }
0x1d: {  	s15 =	sadd.s32 $0x1, s15;
	s19 =	smov.u32 s12;
	s16 =	sadd.s32 $0xFFFFFFFF, s16  }
0x1e: {  	p0 =	seq.s32 s17, $0x1;
	[sflag:s8] =	ssyncset.done $0x0;
	s16 =	sand.u32 $0x1, s16  }
0x1f: {  	s17 =	simm.s32 @p0 $0x80;
	s20 =	simm.s32 @p0 $0x2C80;
	[sflag:s8] =	ssyncadd.s32 $0xFFFFE000  }
0x20: {  	[tilespmem:s20], [sflag:$0x2] =	stream.indirect.gather @p0 [hbm4b:s2+s17], $0x40, s14, s17, $0xb8;
	[tilespmem:$0x4C80] =	vst v63  }
0x21: {  	p1 =	seq.s32 s16, $0x1;
	s17 =	simm.s32 @!p0 $0x80;
	s20 =	simm.s32 @!p0 $0xC80  }
0x22: {  	[tilespmem:s20], [sflag:$0x1] =	stream.indirect.gather @!p0 [hbm4b:s2+s17], $0x40, s14, s17, $0xb8;
	[tilespmem:$0x4C80] =	vst v63  }
0x23: {  	s16 =	sand.u32 $0x8000, s13;
	p0 =	sne.s32 s15, $0x19;
	s17 =	simm.s32 $0x2  }
.Ltmp0:
0x24: {  	s16 =	sshrl.u32 s16, $0x2;
	s17 =	simm.s32 @!p1 $0x1;
	(pc) =	sbr.rel @p0 .LBB2_2-.Ltmp0, $4  }
0x25: {  	s20 =	sor.u32 $0xC80, s16;
	s16 =	smov.u32 s18;
	_ =	swait.ge [sflag:s17], $0x2000  }
0x26: {  	s13 =	sadd.s32 $0x8000, s13;
	[sflag:s17] =	ssyncset.done $0x0  }
0x27: {  	s12 =	sadd.s32 $0x400, s12;
	s14 =	sadd.s32 $0x80, s14;
	[sflag:s17] =	ssyncadd.s32 $0xFFFFE000  }
0x28: {  	[hbm4b:s19+s3] =	stream.linear.scatter [tilespmem:s20], [sflag:$0x3], $0x2000, $0x38;
	[tilespmem:$0x4C80] =	vst v63  }
0x29: {  	s15 =	sand.u32 $0x1, s16;
	_ =	swait.ge [sflag:s8], $0x2000  }
0x2a: {  	s31 =	sadd.s32 $0xFFFFFFFF, s16;
	p0 =	seq.s32 s15, $0x1;
	[sflag:s8] =	ssyncset.done $0x0  }
0x2b: {  	s15 =	simm.s32 @p0 $0x80;
	s17 =	simm.s32 @p0 $0x2C80;
	[sflag:s8] =	ssyncadd.s32 $0xFFFFE000  }
0x2c: {  	[tilespmem:s17], [sflag:$0x2] =	stream.indirect.gather @p0 [hbm4b:s2+s15], $0x40, s14, s15, $0xb8;
	[tilespmem:$0x4C80] =	vst v63  }
0x2d: {  	s16 =	sand.u32 $0x1, s31;
	s15 =	simm.s32 @!p0 $0x80;
	s17 =	simm.s32 @!p0 $0xC80  }
0x2e: {  	[tilespmem:s17], [sflag:$0x1] =	stream.indirect.gather @!p0 [hbm4b:s2+s15], $0x40, s14, s15, $0xb8;
	[tilespmem:$0x4C80] =	vst v63  }
0x2f: {  	p0 =	seq.s32 s16, $0x1;
	s14 =	simm.s32 $0x2  }
0x30: {  	s14 =	simm.s32 @!p0 $0x1  }
0x31: {  	s13 =	sand.u32 $0x8000, s13;
	_ =	swait.ge [sflag:s14], $0x2000  }
0x32: {  	s13 =	sshrl.u32 s13, $0x2;
	[sflag:s14] =	ssyncset.done $0x0  }
0x33: {  	s13 =	sor.u32 $0xC80, s13;
	[sflag:s14] =	ssyncadd.s32 $0xFFFFE000  }
0x34: {  	[hbm4b:s12+s3] =	stream.linear.scatter [tilespmem:s13], [sflag:$0x3], $0x2000, $0x38;
	[tilespmem:$0x4C80] =	vst v63  }
0x35: {  	_ =	swait.ge [sflag:s8], $0x2000  }
0x36: {  	[sflag:s8] =	ssyncset.done $0x0  }
0x37: {  	[sflag:s8] =	ssyncadd.s32 $0xFFFFE000  }
0x38: {  	s11 =	sadd.s32 $0x1, s11;
	_ =	swait.ge [sflag:s10], $0x2000  }
0x39: {  	p0 =	sne.s32 s11, s5;
	[sflag:s10] =	ssyncset.done $0x0  }
.Ltmp1:
0x3a: {  	[sflag:s10] =	ssyncadd.s32 $0xFFFFE000;
	(pc) =	sbr.rel @p0 .LBB2_1-.Ltmp1, $4  }
0x3b: {  	[hbm4b:s6+s3] =	stream.linear.scatter [tilespmem:s9], [sflag:$0x3], $0x2000, $0x38;
	[tilespmem:$0x4C80] =	vst v63  }
0x3c: {  	_ =	swait.ge [sflag:s8], $0x2000  }
0x3d: {  	[sflag:s8] =	ssyncset.done $0x0  }
0x3e: {  	[sflag:s8] =	ssyncadd.s32 $0xFFFFE000  }
0x3f: {  	_ =	sfence.sel $0x180000  }
0x40: {  	[bflag:$0x0] =	sbarrier.arrive $0xFFFF  }
0x41: {  	p0 =	sne.s32 s0, $0x0;
	_ =	strace $0x90000047  }
0x42: {  	s0 =	sadd.s32 @!p0 $0x100000, s1;
	[bflag:$0x2] =	sbarrier.arrive $0xFFFF  }
0x43: {  	[sflag:s0] =	ssyncadd.tile.s32 @!p0 $0x1;
	_ =	shalt  }
.Lfunc_end2:
_tile_overlayer_lowered:
.L_overlay_start_2:
0x44: {  	(tag) =	ssettag $0x2  }
0x45: {  	s0 =	rddreg [dreg:$0x0];
	s2 =	stileid.u32  }
0x46: {  	s1 =	rddreg [dreg:$0x1];
	p0 =	sne.s32 s2, $0x0  }
0x47: {  	s3 =	rddreg [dreg:$0x2];
	[bflag:$0x3] =	sbarrier.arrive $0xFFFF;
	s2 =	simm.s32 @!p0 $0x1C03  }
0x48: {  	[timem:s3], [sflag:s2] =	dma.local @!p0 [hbm:s0], s1  }
0x49: {  	s0 =	simm.s32 @!p0 $0x3  }
0x4a: {  	_ =	swait.ge @!p0 [sflag:s0], s1  }
0x4b: {  	s1 =	ssub.s32 @!p0 $0x0, s1;
	[sflag:s0] =	ssyncset.done @!p0 $0x0  }
0x4c: {  	[sflag:s0] =	ssyncadd.s32 @!p0 s1  }
0x4d: {  	[bflag:$0x3] =	sbarrier.arrive $0xFFFF  }
0x4e: {  	_ =	shalt  }

</sc_bundles>
